<compile_context>
chip_gen: v7x
topology: tpu7x:2x2x1
jax: 0.10.2.dev20260603
libtpu: 0.0.44.dev20260713+nightly
codegen_flags: <defaults>
</compile_context>

<pallas_src>
import functools

import jax
import jax.numpy as jnp
from jax import lax
from jax.experimental import pallas as pl
from jax.experimental.pallas import tpu as pltpu
from jax.experimental.pallas import tpu_sc as plsc

NUM_CORES = 2
NUM_SUBCORES = 16
LANES = 16
NUM_WORKERS = NUM_CORES * NUM_SUBCORES

BATCH = 16384
EMBED = 32
BPW = BATCH // NUM_WORKERS
SLICES = BPW // LANES


def _sc_gather_body(uidx_h, midx_h, uemb_h, memb_h, ubias_h, mbias_h,
                    partials_h, bsum_h,
                    uidx_v, midx_v, urows_v, mrows_v, ubias_v, mbias_v,
                    bsum_v, acc_v, sem_u, sem_m, sem_ub, sem_mb):
    wid = lax.axis_index("s") * NUM_CORES + lax.axis_index("c")
    base = wid * BPW

    pltpu.sync_copy(uidx_h.at[pl.ds(base, BPW)], uidx_v)
    pltpu.sync_copy(midx_h.at[pl.ds(base, BPW)], midx_v)

    cp_u = pltpu.async_copy(uemb_h.at[uidx_v], urows_v, sem_u)
    cp_m = pltpu.async_copy(memb_h.at[midx_v], mrows_v, sem_m)
    cp_ub = pltpu.async_copy(ubias_h.at[uidx_v], ubias_v, sem_ub)
    cp_mb = pltpu.async_copy(mbias_h.at[midx_v], mbias_v, sem_mb)

    cp_ub.wait()
    cp_mb.wait()

    def bias_body(j, _):
        sl = pl.ds(j * LANES, LANES)
        bsum_v[sl] = ubias_v[sl] + mbias_v[sl]
        return 0

    lax.fori_loop(0, SLICES, bias_body, 0)
    pltpu.sync_copy(bsum_v, bsum_h.at[pl.ds(base, BPW)])

    cp_u.wait()
    cp_m.wait()

    def dot_body(i, acc):
        u0 = urows_v[i, pl.ds(0, LANES)]
        m0 = mrows_v[i, pl.ds(0, LANES)]
        u1 = urows_v[i, pl.ds(LANES, LANES)]
        m1 = mrows_v[i, pl.ds(LANES, LANES)]
        return acc + u0 * m0 + u1 * m1

    acc = lax.fori_loop(0, BPW, dot_body, jnp.zeros((LANES,), jnp.float32))
    acc_v[...] = acc
    pltpu.sync_copy(acc_v, partials_h.at[pl.ds(wid * LANES, LANES)])


@functools.partial(
    pl.kernel,
    out_type=(
        jax.ShapeDtypeStruct((NUM_WORKERS * LANES,), jnp.float32),
        jax.ShapeDtypeStruct((BATCH,), jnp.float32),
    ),
    mesh=plsc.VectorSubcoreMesh(core_axis_name="c", subcore_axis_name="s"),
    compiler_params=pltpu.CompilerParams(use_tc_tiling_on_sc=False),
    scratch_types=(
        pltpu.VMEM((BPW,), jnp.int32),
        pltpu.VMEM((BPW,), jnp.int32),
        pltpu.VMEM((BPW, EMBED), jnp.float32),
        pltpu.VMEM((BPW, EMBED), jnp.float32),
        pltpu.VMEM((BPW,), jnp.float32),
        pltpu.VMEM((BPW,), jnp.float32),
        pltpu.VMEM((BPW,), jnp.float32),
        pltpu.VMEM((LANES,), jnp.float32),
        pltpu.SemaphoreType.DMA,
        pltpu.SemaphoreType.DMA,
        pltpu.SemaphoreType.DMA,
        pltpu.SemaphoreType.DMA,
    ),
)
def _sc_gather(uidx_h, midx_h, uemb_h, memb_h, ubias_h, mbias_h,
               partials_h, bsum_h, *scratch):
    _sc_gather_body(uidx_h, midx_h, uemb_h, memb_h, ubias_h, mbias_h,
                    partials_h, bsum_h, *scratch)


def _tc_combine_body(part_ref, bsum_ref, out_ref):
    total = jnp.sum(part_ref[...])
    out_ref[...] = jax.nn.sigmoid(bsum_ref[...] + total)


_tc_combine = pl.pallas_call(
    _tc_combine_body,
    out_shape=jax.ShapeDtypeStruct((BATCH // 128, 128), jnp.float32),
)


def kernel(inputs, user_embedding, user_bias, movie_embedding, movie_bias):
    u_idx = inputs[:, 0]
    m_idx = inputs[:, 1]
    partials, bsum = _sc_gather(
        u_idx, m_idx, user_embedding, movie_embedding,
        user_bias.reshape(-1), movie_bias.reshape(-1))
    out = _tc_combine(partials.reshape(4, 128), bsum.reshape(BATCH // 128, 128))
    return out.reshape(BATCH, 1)

# --- scband reference (transcript-rebuilt; emitter-appended) ---
"""Pipeline reference for scband-recommender-net-14267881357611 (READ-ONLY COPY).

The authoritative reference and input builder live on the scoring server;
editing this copy changes nothing except your own understanding.
"""

import jax, jax.numpy as jnp
import numpy as np

NUM_USERS = 1000000
NUM_MOVIE = 1000000
EMBED = 32
BATCH = 16384

def setup_inputs(seed: int = 0) -> dict:
    key = jax.random.key(seed)
    k1, k2, k3, k4, k5 = jax.random.split(key, 5)
    inputs = jax.random.randint(k1, (BATCH, 2), 0, min(NUM_USERS, NUM_MOVIE), dtype=jnp.int64 if jax.config.jax_enable_x64 else jnp.int32).astype(jnp.int32)
    # learned parameters (he_normal-ish init, scaled to keep the full tensordot sum in a sane range)
    user_embedding = jax.random.normal(k2, (NUM_USERS, EMBED), dtype=jnp.float32) * 0.01
    user_bias = jax.random.normal(k3, (NUM_USERS, 1), dtype=jnp.float32) * 0.01
    movie_embedding = jax.random.normal(k4, (NUM_MOVIE, EMBED), dtype=jnp.float32) * 0.01
    movie_bias = jax.random.normal(k5, (NUM_MOVIE, 1), dtype=jnp.float32) * 0.01
    return {"inputs": inputs, "user_embedding": user_embedding, "user_bias": user_bias,
            "movie_embedding": movie_embedding, "movie_bias": movie_bias}

def reference(inputs, user_embedding, user_bias, movie_embedding, movie_bias):
    u_idx = inputs[:, 0]
    m_idx = inputs[:, 1]
    user_vector = jnp.take(user_embedding, u_idx, axis=0)      # [B, E]
    u_bias = jnp.take(user_bias, u_idx, axis=0)                # [B, 1]
    movie_vector = jnp.take(movie_embedding, m_idx, axis=0)    # [B, E]
    m_bias = jnp.take(movie_bias, m_idx, axis=0)               # [B, 1]
    # Faithful to tf.tensordot(user_vector, movie_vector, 2): full contraction -> scalar
    dot_user_movie = jnp.tensordot(user_vector, movie_vector, 2)
    x = dot_user_movie + u_bias + m_bias                       # broadcast scalar -> [B, 1]
    return jax.nn.sigmoid(x)

if __name__ == "__main__":
    import jax
    _d = setup_inputs()
    print(jax.jit(kernel)(*tuple(_d.values())))

</pallas_src>

<mosaic_0001>
#map = affine_map<(d0, d1) -> (0)>
#map1 = affine_map<(d0, d1) -> (0, 0)>
module attributes {stable_mosaic.version = 14 : i64} {
  func.func @_sc_gather(%arg0: i32, %arg1: i32, %arg2: memref<16384xi32, #tpu.memory_space<hbm>>, %arg3: memref<16384xi32, #tpu.memory_space<hbm>>, %arg4: memref<1000000x32xf32, #tpu.memory_space<hbm>>, %arg5: memref<1000000x32xf32, #tpu.memory_space<hbm>>, %arg6: memref<1000000xf32, #tpu.memory_space<hbm>>, %arg7: memref<1000000xf32, #tpu.memory_space<hbm>>, %arg8: memref<512xf32, #tpu.memory_space<hbm>>, %arg9: memref<16384xf32, #tpu.memory_space<hbm>>, %arg10: memref<512xi32, #tpu.memory_space<vmem>>, %arg11: memref<512xi32, #tpu.memory_space<vmem>>, %arg12: memref<512x32xf32, #tpu.memory_space<vmem>>, %arg13: memref<512x32xf32, #tpu.memory_space<vmem>>, %arg14: memref<512xf32, #tpu.memory_space<vmem>>, %arg15: memref<512xf32, #tpu.memory_space<vmem>>, %arg16: memref<512xf32, #tpu.memory_space<vmem>>, %arg17: memref<16xf32, #tpu.memory_space<vmem>>, %arg18: memref<!tpu.dma_semaphore, #tpu.memory_space<semaphore_mem>>, %arg19: memref<!tpu.dma_semaphore, #tpu.memory_space<semaphore_mem>>, %arg20: memref<!tpu.dma_semaphore, #tpu.memory_space<semaphore_mem>>, %arg21: memref<!tpu.dma_semaphore, #tpu.memory_space<semaphore_mem>>) attributes {dimension_semantics = [#tpu.dimension_semantics<core_parallel>, #tpu.dimension_semantics<subcore_parallel>], iteration_bounds = array<i64: 2, 16>, scalar_prefetch = 0 : i64, scratch_operands = 12 : i64, tpu.core_type = #tpu.core_type<sc_vector_subcore>, window_params = [{transform_indices = #map}, {transform_indices = #map}, {transform_indices = #map1}, {transform_indices = #map1}, {transform_indices = #map}, {transform_indices = #map}, {transform_indices = #map}, {transform_indices = #map}]} {
    %mul3A = arith.constant 2 : i32
    %mul3A_0 = arith.muli %arg1, %mul3A : i32
    %add3A = arith.addi %mul3A_0, %arg0 : i32
    %mul3A_1 = arith.constant 512 : i32
    %mul3A_2 = arith.muli %add3A, %mul3A_1 : i32
    "tpu.region"() ({
      %run_scoped3A = tpu.sem_alloc : memref<!tpu.dma_semaphore, #tpu.memory_space<semaphore_mem>>
      %dma_start3A_39 = tpu.memref_slice %arg2[%mul3A_2] : memref<16384xi32, #tpu.memory_space<hbm>> -> memref<512xi32, #tpu.memory_space<hbm>>
      %dma_start3A_40 = tpu.memref_slice %arg2[%mul3A_2] : memref<16384xi32, #tpu.memory_space<hbm>> -> memref<512xi32, #tpu.memory_space<hbm>>
      tpu.enqueue_dma source(%dma_start3A_40 : memref<512xi32, #tpu.memory_space<hbm>>) target(%arg10 : memref<512xi32, #tpu.memory_space<vmem>>) target_semaphore(%run_scoped3A : memref<!tpu.dma_semaphore, #tpu.memory_space<semaphore_mem>>)
      %dma_wait3A_41 = tpu.memref_slice %arg2[%mul3A_2] : memref<16384xi32, #tpu.memory_space<hbm>> -> memref<512xi32, #tpu.memory_space<hbm>>
      %dma_wait3A_42 = tpu.memref_slice %arg2[%mul3A_2] : memref<16384xi32, #tpu.memory_space<hbm>> -> memref<512xi32, #tpu.memory_space<hbm>>
      tpu.wait_dma2 semaphore(%run_scoped3A : memref<!tpu.dma_semaphore, #tpu.memory_space<semaphore_mem>>) src(%dma_wait3A_42 : memref<512xi32, #tpu.memory_space<hbm>>) dst(%arg10 : memref<512xi32, #tpu.memory_space<vmem>>)
      tpu.yield
    }) : () -> ()
    "tpu.region"() ({
      %run_scoped3A = tpu.sem_alloc : memref<!tpu.dma_semaphore, #tpu.memory_space<semaphore_mem>>
      %dma_start3A_39 = tpu.memref_slice %arg3[%mul3A_2] : memref<16384xi32, #tpu.memory_space<hbm>> -> memref<512xi32, #tpu.memory_space<hbm>>
      %dma_start3A_40 = tpu.memref_slice %arg3[%mul3A_2] : memref<16384xi32, #tpu.memory_space<hbm>> -> memref<512xi32, #tpu.memory_space<hbm>>
      tpu.enqueue_dma source(%dma_start3A_40 : memref<512xi32, #tpu.memory_space<hbm>>) target(%arg11 : memref<512xi32, #tpu.memory_space<vmem>>) target_semaphore(%run_scoped3A : memref<!tpu.dma_semaphore, #tpu.memory_space<semaphore_mem>>)
      %dma_wait3A_41 = tpu.memref_slice %arg3[%mul3A_2] : memref<16384xi32, #tpu.memory_space<hbm>> -> memref<512xi32, #tpu.memory_space<hbm>>
      %dma_wait3A_42 = tpu.memref_slice %arg3[%mul3A_2] : memref<16384xi32, #tpu.memory_space<hbm>> -> memref<512xi32, #tpu.memory_space<hbm>>
      tpu.wait_dma2 semaphore(%run_scoped3A : memref<!tpu.dma_semaphore, #tpu.memory_space<semaphore_mem>>) src(%dma_wait3A_42 : memref<512xi32, #tpu.memory_space<hbm>>) dst(%arg11 : memref<512xi32, #tpu.memory_space<vmem>>)
      tpu.yield
    }) : () -> ()
    %dma_start3A = arith.constant 0 : i32
    %dma_start3A_3 = arith.constant 0 : i32
    %dma_start3A_4 = tpu.memref_slice %arg4[%dma_start3A, %dma_start3A_3] : memref<1000000x32xf32, #tpu.memory_space<hbm>> -> memref<1000000x32xf32, #tpu.memory_space<hbm>>
    tpu.enqueue_indirect_dma source(%dma_start3A_4 : memref<1000000x32xf32, #tpu.memory_space<hbm>>) target(%arg12 : memref<512x32xf32, #tpu.memory_space<vmem>>) offsets(%arg10 : memref<512xi32, #tpu.memory_space<vmem>>) semaphore(%arg18 : memref<!tpu.dma_semaphore, #tpu.memory_space<semaphore_mem>>)
    %dma_start3A_5 = arith.constant 0 : i32
    %dma_start3A_6 = arith.constant 0 : i32
    %dma_start3A_7 = tpu.memref_slice %arg5[%dma_start3A_5, %dma_start3A_6] : memref<1000000x32xf32, #tpu.memory_space<hbm>> -> memref<1000000x32xf32, #tpu.memory_space<hbm>>
    tpu.enqueue_indirect_dma source(%dma_start3A_7 : memref<1000000x32xf32, #tpu.memory_space<hbm>>) target(%arg13 : memref<512x32xf32, #tpu.memory_space<vmem>>) offsets(%arg11 : memref<512xi32, #tpu.memory_space<vmem>>) semaphore(%arg19 : memref<!tpu.dma_semaphore, #tpu.memory_space<semaphore_mem>>)
    %dma_start3A_8 = arith.constant 0 : i32
    %dma_start3A_9 = tpu.memref_slice %arg6[%dma_start3A_8] : memref<1000000xf32, #tpu.memory_space<hbm>> -> memref<1000000xf32, #tpu.memory_space<hbm>>
    tpu.enqueue_indirect_dma source(%dma_start3A_9 : memref<1000000xf32, #tpu.memory_space<hbm>>) target(%arg14 : memref<512xf32, #tpu.memory_space<vmem>>) offsets(%arg10 : memref<512xi32, #tpu.memory_space<vmem>>) semaphore(%arg20 : memref<!tpu.dma_semaphore, #tpu.memory_space<semaphore_mem>>)
    %dma_start3A_10 = arith.constant 0 : i32
    %dma_start3A_11 = tpu.memref_slice %arg7[%dma_start3A_10] : memref<1000000xf32, #tpu.memory_space<hbm>> -> memref<1000000xf32, #tpu.memory_space<hbm>>
    tpu.enqueue_indirect_dma source(%dma_start3A_11 : memref<1000000xf32, #tpu.memory_space<hbm>>) target(%arg15 : memref<512xf32, #tpu.memory_space<vmem>>) offsets(%arg11 : memref<512xi32, #tpu.memory_space<vmem>>) semaphore(%arg21 : memref<!tpu.dma_semaphore, #tpu.memory_space<semaphore_mem>>)
    %dma_wait3A = arith.constant 0 : i32
    %dma_wait3A_12 = tpu.memref_slice %arg6[%dma_wait3A] : memref<1000000xf32, #tpu.memory_space<hbm>> -> memref<1000000xf32, #tpu.memory_space<hbm>>
    tpu.wait_indirect_dma semaphore(%arg20 : memref<!tpu.dma_semaphore, #tpu.memory_space<semaphore_mem>>) src(%dma_wait3A_12 : memref<1000000xf32, #tpu.memory_space<hbm>>) dst(%arg14 : memref<512xf32, #tpu.memory_space<vmem>>)
    %dma_wait3A_13 = arith.constant 0 : i32
    %dma_wait3A_14 = tpu.memref_slice %arg7[%dma_wait3A_13] : memref<1000000xf32, #tpu.memory_space<hbm>> -> memref<1000000xf32, #tpu.memory_space<hbm>>
    tpu.wait_indirect_dma semaphore(%arg21 : memref<!tpu.dma_semaphore, #tpu.memory_space<semaphore_mem>>) src(%dma_wait3A_14 : memref<1000000xf32, #tpu.memory_space<hbm>>) dst(%arg15 : memref<512xf32, #tpu.memory_space<vmem>>)
    %scan3A = arith.constant 0 : i32
    %scan3A_15 = arith.constant 0 : i32
    %scan3A_16 = arith.constant 32 : i32
    %scan3A_17 = arith.addi %scan3A_15, %scan3A_16 : i32
    %scan3A_18 = arith.constant 1 : i32
    %scan3A_19 = scf.for %scan3A_39 = %scan3A_15 to %scan3A_17 step %scan3A_18 iter_args(%scan3A_40 = %scan3A) -> (i32)  : i32 {
      %mul3A_41 = arith.constant 16 : i32
      %mul3A_42 = arith.muli %scan3A_39, %mul3A_41 : i32
      %get3A = arith.index_cast %mul3A_42 : i32 to index
      %get3A_43 = tpu.vector_load %arg14[%get3A] {strides = array<i32>} : memref<512xf32, #tpu.memory_space<vmem>>, vector<16xf32>,
      %get3A_44 = vector.shape_cast %get3A_43 : vector<16xf32> to vector<16xf32>
      %get3A_45 = arith.index_cast %mul3A_42 : i32 to index
      %get3A_46 = tpu.vector_load %arg15[%get3A_45] {strides = array<i32>} : memref<512xf32, #tpu.memory_space<vmem>>, vector<16xf32>,
      %get3A_47 = vector.shape_cast %get3A_46 : vector<16xf32> to vector<16xf32>
      %add3A_48 = arith.addf %get3A_44, %get3A_47 : vector<16xf32>
      %swap3A_49 = arith.index_cast %mul3A_42 : i32 to index
      %swap3A_50 = tpu.vector_load %arg16[%swap3A_49] {strides = array<i32>} : memref<512xf32, #tpu.memory_space<vmem>>, vector<16xf32>,
      %swap3A_51 = vector.shape_cast %swap3A_50 : vector<16xf32> to vector<16xf32>
      %swap3A_52 = vector.shape_cast %add3A_48 : vector<16xf32> to vector<16xf32>
      tpu.vector_store %arg16[%swap3A_49], %swap3A_52 {strides = array<i32>} : memref<512xf32, #tpu.memory_space<vmem>>, vector<16xf32>,
      %scan3A_53 = arith.constant 0 : i32
      scf.yield %scan3A_53 : i32
    }
    %scan3A_20 = arith.constant 32 : i32
    "tpu.region"() ({
      %run_scoped3A = tpu.sem_alloc : memref<!tpu.dma_semaphore, #tpu.memory_space<semaphore_mem>>
      %dma_start3A_39 = tpu.memref_slice %arg9[%mul3A_2] : memref<16384xf32, #tpu.memory_space<hbm>> -> memref<512xf32, #tpu.memory_space<hbm>>
      %dma_start3A_40 = tpu.memref_slice %arg9[%mul3A_2] : memref<16384xf32, #tpu.memory_space<hbm>> -> memref<512xf32, #tpu.memory_space<hbm>>
      tpu.enqueue_dma source(%arg16 : memref<512xf32, #tpu.memory_space<vmem>>) target(%dma_start3A_40 : memref<512xf32, #tpu.memory_space<hbm>>) target_semaphore(%run_scoped3A : memref<!tpu.dma_semaphore, #tpu.memory_space<semaphore_mem>>)
      %dma_wait3A_41 = tpu.memref_slice %arg9[%mul3A_2] : memref<16384xf32, #tpu.memory_space<hbm>> -> memref<512xf32, #tpu.memory_space<hbm>>
      %dma_wait3A_42 = tpu.memref_slice %arg9[%mul3A_2] : memref<16384xf32, #tpu.memory_space<hbm>> -> memref<512xf32, #tpu.memory_space<hbm>>
      tpu.wait_dma2 semaphore(%run_scoped3A : memref<!tpu.dma_semaphore, #tpu.memory_space<semaphore_mem>>) src(%arg16 : memref<512xf32, #tpu.memory_space<vmem>>) dst(%dma_wait3A_42 : memref<512xf32, #tpu.memory_space<hbm>>)
      tpu.yield
    }) : () -> ()
    %dma_wait3A_21 = arith.constant 0 : i32
    %dma_wait3A_22 = arith.constant 0 : i32
    %dma_wait3A_23 = tpu.memref_slice %arg4[%dma_wait3A_21, %dma_wait3A_22] : memref<1000000x32xf32, #tpu.memory_space<hbm>> -> memref<1000000x32xf32, #tpu.memory_space<hbm>>
    tpu.wait_indirect_dma semaphore(%arg18 : memref<!tpu.dma_semaphore, #tpu.memory_space<semaphore_mem>>) src(%dma_wait3A_23 : memref<1000000x32xf32, #tpu.memory_space<hbm>>) dst(%arg12 : memref<512x32xf32, #tpu.memory_space<vmem>>)
    %dma_wait3A_24 = arith.constant 0 : i32
    %dma_wait3A_25 = arith.constant 0 : i32
    %dma_wait3A_26 = tpu.memref_slice %arg5[%dma_wait3A_24, %dma_wait3A_25] : memref<1000000x32xf32, #tpu.memory_space<hbm>> -> memref<1000000x32xf32, #tpu.memory_space<hbm>>
    tpu.wait_indirect_dma semaphore(%arg19 : memref<!tpu.dma_semaphore, #tpu.memory_space<semaphore_mem>>) src(%dma_wait3A_26 : memref<1000000x32xf32, #tpu.memory_space<hbm>>) dst(%arg13 : memref<512x32xf32, #tpu.memory_space<vmem>>)
    %broadcast_in_dim3A = arith.constant 0.000000e+00 : f32
    %broadcast_in_dim3A_27 = vector.broadcast %broadcast_in_dim3A : f32 to vector<16xf32>
    %scan3A_28 = arith.constant 0 : i32
    %scan3A_29 = arith.constant 512 : i32
    %scan3A_30 = arith.addi %scan3A_28, %scan3A_29 : i32
    %scan3A_31 = arith.constant 1 : i32
    %scan3A_32 = scf.for %scan3A_39 = %scan3A_28 to %scan3A_30 step %scan3A_31 iter_args(%scan3A_40 = %broadcast_in_dim3A_27) -> (vector<16xf32>)  : i32 {
      %get3A = arith.index_cast %scan3A_39 : i32 to index
      %get3A_41 = arith.constant 0 : index
      %get3A_42 = tpu.vector_load %arg12[%get3A, %get3A_41] {strides = array<i32>} : memref<512x32xf32, #tpu.memory_space<vmem>>, vector<1x16xf32>,
      %get3A_43 = vector.shape_cast %get3A_42 : vector<1x16xf32> to vector<16xf32>
      %get3A_44 = arith.index_cast %scan3A_39 : i32 to index
      %get3A_45 = arith.constant 0 : index
      %get3A_46 = tpu.vector_load %arg13[%get3A_44, %get3A_45] {strides = array<i32>} : memref<512x32xf32, #tpu.memory_space<vmem>>, vector<1x16xf32>,
      %get3A_47 = vector.shape_cast %get3A_46 : vector<1x16xf32> to vector<16xf32>
      %get3A_48 = arith.index_cast %scan3A_39 : i32 to index
      %get3A_49 = arith.constant 16 : index
      %get3A_50 = tpu.vector_load %arg12[%get3A_48, %get3A_49] {strides = array<i32>} : memref<512x32xf32, #tpu.memory_space<vmem>>, vector<1x16xf32>,
      %get3A_51 = vector.shape_cast %get3A_50 : vector<1x16xf32> to vector<16xf32>
      %get3A_52 = arith.index_cast %scan3A_39 : i32 to index
      %get3A_53 = arith.constant 16 : index
      %get3A_54 = tpu.vector_load %arg13[%get3A_52, %get3A_53] {strides = array<i32>} : memref<512x32xf32, #tpu.memory_space<vmem>>, vector<1x16xf32>,
      %get3A_55 = vector.shape_cast %get3A_54 : vector<1x16xf32> to vector<16xf32>
      %mul3A_56 = arith.mulf %get3A_43, %get3A_47 : vector<16xf32>
      %add3A_57 = arith.addf %scan3A_40, %mul3A_56 : vector<16xf32>
      %mul3A_58 = arith.mulf %get3A_51, %get3A_55 : vector<16xf32>
      %add3A_59 = arith.addf %add3A_57, %mul3A_58 : vector<16xf32>
      scf.yield %add3A_59 : vector<16xf32>
    }
    %scan3A_33 = arith.constant 512 : i32
    %swap3A = arith.constant 0 : index
    %swap3A_34 = tpu.vector_load %arg17[%swap3A] {strides = array<i32>} : memref<16xf32, #tpu.memory_space<vmem>>, vector<16xf32>,
    %swap3A_35 = vector.shape_cast %swap3A_34 : vector<16xf32> to vector<16xf32>
    %swap3A_36 = vector.shape_cast %scan3A_32 : vector<16xf32> to vector<16xf32>
    tpu.vector_store %arg17[%swap3A], %swap3A_36 {strides = array<i32>} : memref<16xf32, #tpu.memory_space<vmem>>, vector<16xf32>,
    %mul3A_37 = arith.constant 16 : i32
    %mul3A_38 = arith.muli %add3A, %mul3A_37 : i32
    "tpu.region"() ({
      %run_scoped3A = tpu.sem_alloc : memref<!tpu.dma_semaphore, #tpu.memory_space<semaphore_mem>>
      %dma_start3A_39 = tpu.memref_slice %arg8[%mul3A_38] : memref<512xf32, #tpu.memory_space<hbm>> -> memref<16xf32, #tpu.memory_space<hbm>>
      %dma_start3A_40 = tpu.memref_slice %arg8[%mul3A_38] : memref<512xf32, #tpu.memory_space<hbm>> -> memref<16xf32, #tpu.memory_space<hbm>>
      tpu.enqueue_dma source(%arg17 : memref<16xf32, #tpu.memory_space<vmem>>) target(%dma_start3A_40 : memref<16xf32, #tpu.memory_space<hbm>>) target_semaphore(%run_scoped3A : memref<!tpu.dma_semaphore, #tpu.memory_space<semaphore_mem>>)
      %dma_wait3A_41 = tpu.memref_slice %arg8[%mul3A_38] : memref<512xf32, #tpu.memory_space<hbm>> -> memref<16xf32, #tpu.memory_space<hbm>>
      %dma_wait3A_42 = tpu.memref_slice %arg8[%mul3A_38] : memref<512xf32, #tpu.memory_space<hbm>> -> memref<16xf32, #tpu.memory_space<hbm>>
      tpu.wait_dma2 semaphore(%run_scoped3A : memref<!tpu.dma_semaphore, #tpu.memory_space<semaphore_mem>>) src(%arg17 : memref<16xf32, #tpu.memory_space<vmem>>) dst(%dma_wait3A_42 : memref<16xf32, #tpu.memory_space<hbm>>)
      tpu.yield
    }) : () -> ()
    return
  }
}

module attributes {stable_mosaic.version = 14 : i64} {
  func.func @_tc_combine_body(%arg0: memref<4x128xf32, #tpu.memory_space<vmem>>, %arg1: memref<128x128xf32, #tpu.memory_space<vmem>>, %arg2: memref<128x128xf32, #tpu.memory_space<vmem>>) attributes {dimension_semantics = [], scalar_prefetch = 0 : i64, scratch_operands = 0 : i64, tpu.core_type = #tpu.core_type<tc>} {
    %get3A = arith.constant 0 : index
    %get3A_0 = arith.constant 0 : index
    %get3A_1 = vector.load %arg0[%get3A, %get3A_0] : memref<4x128xf32, #tpu.memory_space<vmem>>, vector<4x128xf32>
    %reduce_sum3A = vector.shape_cast %get3A_1 : vector<4x128xf32> to vector<1x4x128xf32>
    %reduce_sum3A_2 = arith.constant dense<0.000000e+00> : vector<1xf32>
    %reduce_sum3A_3 = vector.multi_reduction <add>, %reduce_sum3A, %reduce_sum3A_2 [1, 2] : vector<1x4x128xf32> to vector<1xf32>
    %reduce_sum3A_4 = vector.shape_cast %reduce_sum3A_3 : vector<1xf32> to vector<1x1x1xf32>
    %reduce_sum3A_5 = vector.extract %reduce_sum3A_4[0, 0, 0] : f32 from vector<1x1x1xf32>
    %get3A_6 = arith.constant 0 : index
    %get3A_7 = arith.constant 0 : index
    %get3A_8 = vector.load %arg1[%get3A_6, %get3A_7] : memref<128x128xf32, #tpu.memory_space<vmem>>, vector<128x128xf32>
    %add3A = vector.broadcast %reduce_sum3A_5 : f32 to vector<128x128xf32>
    %add3A_9 = arith.addf %get3A_8, %add3A : vector<128x128xf32>
    %logistic3A = arith.negf %add3A_9 : vector<128x128xf32>
    %logistic3A_10 = math.exp %logistic3A : vector<128x128xf32>
    %logistic3A_11 = arith.constant 1.000000e+00 : f32
    %logistic3A_12 = vector.broadcast %logistic3A_11 : f32 to vector<128x128xf32>
    %logistic3A_13 = arith.addf %logistic3A_12, %logistic3A_10 : vector<128x128xf32>
    %logistic3A_14 = arith.divf %logistic3A_12, %logistic3A_13 : vector<128x128xf32>
    %swap3A = arith.constant 0 : index
    %swap3A_15 = arith.constant 0 : index
    %swap3A_16 = vector.load %arg2[%swap3A, %swap3A_15] : memref<128x128xf32, #tpu.memory_space<vmem>>, vector<128x128xf32>
    tpu.vector_store %arg2[%swap3A, %swap3A_15], %logistic3A_14 {strides = array<i32>} : memref<128x128xf32, #tpu.memory_space<vmem>>, vector<128x128xf32>,
    return
  }
}

</mosaic_0001>

<sc_bundles>
// kernel: kernel.4.cloned.1.call-start
scs
__scs_entry_jumppad:
0x0: {  	(pc) =	sbr.rel $0x88, $3  }
0x1: {  	(tag) =	ssettag $0x0;
	lr =	simm.s32 $0x1  }
0x2: {  	[smem:$0x3F9C] =	sst lr;
	_ =	strace $0xD0000000  }
0x3: {  	_ = 	snop  }
0x4: {  	_ = 	snop  }
0x5: {  	_ = 	snop  }
0x6: {  	_ = 	snop  }
0x7: {  	_ = 	snop  }
__scs_overlays_trampoline_lowered:
0x8: {  	[smem:$0x3FAB] =	sst s0  }
0x9: {  	[smem:$0x3FAC] =	sst s1  }
0xa: {  	[smem:$0x3FAD] =	sst s2  }
0xb: {  	[smem:$0x3FAE] =	sst s3  }
0xc: {  	[smem:$0x3FAF] =	sst s4  }
0xd: {  	[smem:$0x3FB0] =	sst s5  }
0xe: {  	[smem:$0x3FB1] =	sst s6  }
0xf: {  	[smem:$0x3FB2] =	sst s7  }
0x10: {  	[smem:$0x3FB3] =	sst s8  }
0x11: {  	[smem:$0x3FB4] =	sst s9;
	s0 =	simm.s32 @!p0 $0x0  }
0x12: {  	s1 =	sld [smem:$0x3F9A];
	s0 =	simm.s32 @p0 $0x1  }
0x13: {  	[smem:$0x3FB5] =	sst s0;
	s0 =	simm.s32 @!p1 $0x0  }
0x14: {  	s2 =	sld [smem:$0x3F99];
	s0 =	simm.s32 @p1 $0x1  }
0x15: {  	[smem:$0x3FB6] =	sst s0;
	s0 =	simm.s32 @!p2 $0x0  }
0x16: {  	s3 =	sld [smem:$0x3FDB];
	s0 =	simm.s32 @p2 $0x1  }
0x17: {  	s4 =	simm.s32 $0x1BF5;
	[smem:$0x3FB8] =	sst s0  }
0x18: {  	s0 =	sld [smem:$0x3F9B];
	_ =	swait.ge [sflag:s4], $0x0  }
0x19: {  	s7 =	sld [smem:$0x3F9C]  }
0x1a: {  	s8 =	sadd.s32 $0xFFFFE003, lr  }
0x1b: {  	s9 =	sadd.s32 $0xFFFFFEF7, lr;
	s5 =	simm.s32 $0xFFFFFFFF;
	p2 =	slt.u32 s8, $0xFFFFF086  }
0x1c: {  	p1 =	slt.u32 s9, $0xF7A;
	s5 =	simm.s32 @!p2 $0x0  }
0x1d: {  	s5 =	simm.s32 @p1 $0x1;
	p0 =	seq.s32 s7, s2  }
0x1e: {  	s7 =	smul.u32 @!p0 $0xF7A, s2;
	p2 =	seq.s32 @!p0 s5, $0x0  }
0x1f: {  	s9 =	smul.u32 $0xF7A, s1;
	s8 =	simm.s32 @!p0 $0x1BF5;
	p2 =	por !p2, p0  }
0x20: {  	[sflag:s8] =	ssyncset.s32 @!p0 $0xFFFFF086;
	s6 =	sadd.s32 @!p0 s3, s7;
	s7 =	simm.s32 @!p0 $0x108  }
0x21: {  	s3 =	sadd.s32 s3, s9;
	s6 =	sadd.s32 @!p0 $0x88, s6;
	s7 =	simm.s32 @p2 $0x1082  }
0x22: {  	[simem:s7], [sflag:s8] =	dma.local @!p0 [hbm:s6], $0xF7A  }
0x23: {  	s9 =	sor.u32 $0xD0000000, s2;
	s6 =	simm.s32 $0x108;
	_ =	swait.ge @!p0 [sflag:s8], $0x0  }
0x24: {  	s3 =	sadd.s32 $0x88, s3;
	s6 =	simm.s32 @!p1 $0x1082;
	[sflag:s4] =	ssyncset.s32 $0xFFFFF086  }
0x25: {  	[simem:s6], [sflag:s4] =	dma.local [hbm:s3], $0xF7A  }
0x26: {  	[smem:$0x3F9C] =	sst s1;
	(tag) =	ssettag s2;
	_ =	strace s9  }
0x27: {  	s1 =	sld [smem:$0x3FAC]  }
0x28: {  	s2 =	sld [smem:$0x3FAD]  }
0x29: {  	s4 =	sld [smem:$0x3FAF]  }
0x2a: {  	p0 =	seq.s32 s5, $0x0;
	s5 =	sld [smem:$0x3FB0]  }
0x2b: {  	s6 =	sld [smem:$0x3FB1]  }
0x2c: {  	s7 =	sld [smem:$0x3FB2]  }
0x2d: {  	s3 =	simm.s32 $0x108;
	s8 =	sld [smem:$0x3FB3]  }
0x2e: {  	s3 =	simm.s32 @!p0 $0x1082;
	s9 =	sld [smem:$0x3FB4]  }
0x2f: {  	lr =	sadd.s32 s0, s3;
	s0 =	sld [smem:$0x3FAB]  }
0x30: {  	s3 =	sld [smem:$0x3FAE]  }
0x31: {  	[smem:$0x3FB7] =	sst s10  }
0x32: {  	s10 =	sld [smem:$0x3FB5];
	_ =	sdelay $0x3  }
0x33: {  	p0 =	seq.s32 s10, $0x1;
	s10 =	sld [smem:$0x3FB7];
	_ =	sdelay $0x3  }
0x34: {  	[smem:$0x3FB7] =	sst s10  }
0x35: {  	s10 =	sld [smem:$0x3FB6];
	_ =	sdelay $0x3  }
0x36: {  	p1 =	seq.s32 s10, $0x1;
	s10 =	sld [smem:$0x3FB7];
	_ =	sdelay $0x3  }
0x37: {  	[smem:$0x3FB7] =	sst s10  }
0x38: {  	s10 =	sld [smem:$0x3FB8]  }
0x39: {  	_ = 	snop;
	(pc) =	sbr.ind lr, $3  }
0x3a: {  	_ = 	snop  }
0x3b: {  	_ = 	snop  }
0x3c: {  	p2 =	seq.s32 s10, $0x1;
	s10 =	sld [smem:$0x3FB7]  }
0x3d: {  	_ =	shalt  }
0x3e: {  	_ =	shalt  }
0x3f: {  	_ =	shalt  }
0x40: {  	_ =	shalt  }
0x41: {  	_ =	shalt  }
0x42: {  	_ =	shalt  }
0x43: {  	_ =	shalt  }
0x44: {  	_ =	shalt  }
0x45: {  	_ =	shalt  }
0x46: {  	_ =	shalt  }
0x47: {  	_ =	shalt  }
0x48: {  	_ =	shalt  }
0x49: {  	_ =	shalt  }
0x4a: {  	_ =	shalt  }
0x4b: {  	_ =	shalt  }
0x4c: {  	_ =	shalt  }
0x4d: {  	_ =	shalt  }
0x4e: {  	_ =	shalt  }
0x4f: {  	_ =	shalt  }
0x50: {  	_ =	shalt  }
0x51: {  	_ =	shalt  }
0x52: {  	_ =	shalt  }
0x53: {  	_ =	shalt  }
0x54: {  	_ =	shalt  }
0x55: {  	_ =	shalt  }
0x56: {  	_ =	shalt  }
0x57: {  	_ =	shalt  }
0x58: {  	_ =	shalt  }
0x59: {  	_ =	shalt  }
0x5a: {  	_ =	shalt  }
0x5b: {  	_ =	shalt  }
0x5c: {  	_ =	shalt  }
0x5d: {  	_ =	shalt  }
0x5e: {  	_ =	shalt  }
0x5f: {  	_ =	shalt  }
0x60: {  	_ =	shalt  }
0x61: {  	_ =	shalt  }
0x62: {  	_ =	shalt  }
0x63: {  	_ =	shalt  }
0x64: {  	_ =	shalt  }
0x65: {  	_ =	shalt  }
0x66: {  	_ =	shalt  }
0x67: {  	_ =	shalt  }
0x68: {  	_ =	shalt  }
0x69: {  	_ =	shalt  }
0x6a: {  	_ =	shalt  }
0x6b: {  	_ =	shalt  }
0x6c: {  	_ =	shalt  }
0x6d: {  	_ =	shalt  }
0x6e: {  	_ =	shalt  }
0x6f: {  	_ =	shalt  }
0x70: {  	_ =	shalt  }
0x71: {  	_ =	shalt  }
0x72: {  	_ =	shalt  }
0x73: {  	_ =	shalt  }
0x74: {  	_ =	shalt  }
0x75: {  	_ =	shalt  }
0x76: {  	_ =	shalt  }
0x77: {  	_ =	shalt  }
0x78: {  	_ =	shalt  }
0x79: {  	_ =	shalt  }
0x7a: {  	_ =	shalt  }
0x7b: {  	_ =	shalt  }
0x7c: {  	_ =	shalt  }
0x7d: {  	_ =	shalt  }
0x7e: {  	_ =	shalt  }
0x7f: {  	_ =	shalt  }
0x80: {  	_ =	shalt  }
0x81: {  	_ =	shalt  }
0x82: {  	_ =	shalt  }
0x83: {  	_ =	shalt  }
0x84: {  	_ =	shalt  }
0x85: {  	_ =	shalt  }
0x86: {  	_ =	shalt  }
0x87: {  	_ =	shalt  }
.Lfunc_end0:
.L_simem_size_0:
called_computation_lowered:
.L_overlay_start_0:
0x88: {  	s2 =	sld [smem:$0x3FD9]  }
0x89: {  	s3 =	sld [smem:$0x3FFE];
	_ =	sdelay $0x1  }
0x8a: {  	s1 =	srdreg.scid  }
0x8b: {  	s0 =	sand.u32 $0x1, s1  }
0x8c: {  	s17 =	sshll.u32 s0, $0xA;
	s2 =	sadd.s32 s3, s2  }
0x8d: {  	s2 =	sadd.s32 s2, s17  }
0x8e: {  	[smem:$0x3FC3] =	sst s2  }
0x8f: {  	_ = 	snop  }
0x90: {  	s2 =	sld [smem:$0x3FD0];
	(tm) =	ssettm $0x1  }
0x91: {  	s18 =	sld [smem:$0x3FFB];
	_ =	sdelay $0x3  }
0x92: {  	_ =	strace s18  }
0x93: {  	s3 =	sld [smem:$0x3FFC];
	_ =	sdelay $0x3  }
0x94: {  	_ =	strace s3  }
0x95: {  	s3 =	sld [smem:$0x3FFD];
	_ =	sdelay $0x3  }
0x96: {  	_ =	strace s3  }
0x97: {  	_ =	strace $0x8FFFFFFF  }
0x98: {  	s19 =	sld [smem:$0x3FDB];
	_ =	sdelay $0x1  }
0x99: {  	s4 =	simm.s32 $_scs_section_size  }
0x9a: {  	s5 =	simm.s32 $_size__tile_overlayer_lowered;
	s6 =	simm.s32 $_tile_overlayer_lowered  }
0x9b: {  	s22 =	simm.s32 $0x1BFF;
	s21 =	sshll.u32 s6, $0x1;
	s3 =	sadd.s32 s4, s19  }
0x9c: {  	s7 =	simm.s32 $0x0;
	s20 =	sshll.u32 s5, $0x1;
	s5 =	sadd.s32 s21, s3  }
0x9d: {  	[timem:s7], [sflag:s22] =	dma.local [hbm:s5], s20  }
0x9e: {  	_ =	swait.ge [sflag:s22], s20  }
0x9f: {  	s4 =	ssub.s32 $0x0, s20;
	[sflag:s22] =	ssyncset.done $0x0  }
0xa0: {  	[sflag:s22] =	ssyncadd.s32 s4;
	_ =	sdelay $0x1  }
0xa1: {  	s23 =	simm.s32 $0x1B8B  }
0xa2: {  	_ =	swait.ge [sflag:s23], $0x1  }
0xa3: {  	[sflag:s23] =	ssyncset.done $0x0  }
0xa4: {  	s25 =	simm.s32 $0x1B8E;
	s24 =	sld [smem:$0x3FFE];
	[sflag:s23] =	ssyncadd.s32 $0xFFFFFFFF  }
0xa5: {  	s26 =	simm.s32 $execute0_lowered;
	[smem:$0x3FD2] =	sst s25  }
0xa6: {  	s5 =	sshll.u32 s26, $0x1;
	_ =	strace $0x80000046;
	[dreg:$0x1] =	wrdreg $0xFFFFFFFF  }
0xa7: {  	s28 =	simm.s32 $_size_execute0_lowered;
	s3 =	sadd.s32 s3, s5;
	[dreg:$0x0] =	wrdreg $0x0  }
0xa8: {  	s5 =	sshll.u32 s28, $0x1;
	[dreg:$0x2] =	wrdreg s3  }
0xa9: {  	[dreg:$0x3] =	wrdreg s5  }
0xaa: {  	[dreg:$0x4] =	wrdreg $0xC0  }
0xab: {  	_ =	task [dreg:s7], $0x5FFFF  }
0xac: {  	[dreg:$0x1] =	wrdreg $0xFFFFFFFF  }
0xad: {  	[dreg:$0x0] =	wrdreg $0x60  }
0xae: {  	[dreg:$0x2] =	wrdreg s24  }
0xaf: {  	[dreg:$0x3] =	wrdreg s2  }
0xb0: {  	[dreg:$0x4] =	wrdreg $0x9  }
0xb1: {  	_ =	task.clear_ibuf [dreg:s7], $0x5FFFF;
	_ =	strace $0x90000046  }
0xb2: {  	s29 =	simm.s32 $0x9;
	_ =	strace $0x80000048  }
0xb3: {  	_ =	swait.ge [sflag:s29], $0x1  }
0xb4: {  	[sflag:s29] =	ssyncadd.s32 $0xFFFFFFFF  }
0xb5: {  	_ =	strace $0x90000048  }
0xb6: {  	_ =	sfence  }
0xb7: {  	s30 =	sld [smem:$0x0];
	_ =	sdelay $0x2  }
0xb8: {  	s31 =	sshll.u32 s1, $0xD;
	s1 =	sshrl.u32 s1, $0x2  }
0xb9: {  	s3 =	sand.u32 $0x4000, s31;
	s1 =	sadd.s32 s1, s30  }
0xba: {  	s0 =	sor.u32 s3, s0;
	s1 =	sshll.u32 s1, $0x11  }
0xbb: {  	s0 =	sor.u32 s1, s0  }
0xbc: {  	s0 =	sadd.s32 $0x8F2B, s0  }
0xbd: {  	[sflag:s0] =	ssyncadd.remote.s32 $0x1  }
0xbe: {  	_ =	sfence.sel $0xFFFF  }
0xbf: {  	[dreg:$0x0] =	wrdreg $0xFFFFFFFF;
	(pc) =	sbr.abs _section_cstart, $3  }
0xc0: {  	[dreg:$0x1] =	wrdreg $0xFFFFFFFF  }
0xc1: {  	_ =	task.clear_ibuf [dreg:s7], $0x2FFFF;
	_ =	strace $0x9FFFFFFF  }
0xc2: {  	(tm) =	ssettm $0x7FFFFFFF  }
0xc3: {  	_ =	shalt  }
tec
execute0_lowered:
.L_overlay_start_1:
0x0: {  	(tag) =	ssettag $0x1  }
0x1: {  	s7 =	rddreg [dreg:$0x0]  }
0x2: {  	s8 =	rddreg [dreg:$0x1]  }
0x3: {  	s0 =	rddreg [dreg:$0x2];
	s1 =	simm.s32 $0x0  }
0x4: {  	s6 =	srdreg.scid;
	s2 =	stileid.u32;
	s14 =	simm.s32 $0x400  }
0x5: {  	s15 =	simm.s32 $0x4400;
	s16 =	simm.s32 $0x8400;
	s17 =	simm.s32 $0x8600  }
0x6: {  	s18 =	simm.s32 $0x3;
	s19 =	simm.s32 $0x4;
	s20 =	simm.s32 $0x8800  }
0x7: {  	s21 =	simm.s32 $0x1;
	s22 =	simm.s32 $0x2;
	s23 =	simm.s32 $0x8A00  }
0x8: {  	s24 =	simm.s32 $0x0;
	[smem:$0x7FF] =	sst s1;
	s3 =	sadd.s32 $0x1313E00, s7  }
0x9: {  	s4 =	sadd.s32 $0xF43400, s7;
	s9 =	sand.u32 $0x1, s6;
	s10 =	sshll.u32 s2, $0x1  }
0xa: {  	s5 =	sadd.s32 $0x1FA00, s7;
	s6 =	sadd.s32 $0x1000, s7;
	s10 =	sor.u32 s9, s10  }
0xb: {  	_ =	strace $0x80000047;
	s9 =	ssub.s32 $0x2, s9;
	s11 =	sshll.u32 s10, $0x1  }
0xc: {  	s10 =	sshll.u32 s10, $0x6;
	s12 =	sshrl.u32 s9, $0x1;
	s11 =	sadd.s32 s11, s7  }
0xd: {  	s13 =	sadd.s32 s10, s7;
	s12 =	ssub.s32 s9, s12;
	s8 =	sadd.s32 s8, s10  }
0xe: {  	s7 =	sadd.s32 $0x800, s13;
	s9 =	sadd.s32 $0x3E400, s13;
	s10 =	sadd.s32 $0x3EC00, s11  }
0xf: {  	s11 =	smax.u32 s12, $0x1;
	s12 =	simm.s32 $0x5;
	s13 =	simm.s32 $0x200  }
.LBB2_1:
0x10: {  	[tilespmem:s1], [sflag:$0x5] =	stream.linear.gather [hbm4b:s7+s1], $0x200, $0x38;
	[tilespmem:$0x8A10] =	vst v63  }
0x11: {  	_ =	swait.ge [sflag:s12], $0x200  }
0x12: {  	[sflag:s12] =	ssyncset.done $0x0  }
0x13: {  	[sflag:s12] =	ssyncadd.s32 $0xFFFFFE00  }
0x14: {  	[tilespmem:s13], [sflag:$0x5] =	stream.linear.gather [hbm4b:s8+s1], $0x200, $0x38;
	[tilespmem:$0x8A10] =	vst v63  }
0x15: {  	_ =	swait.ge [sflag:s12], $0x200  }
0x16: {  	[sflag:s12] =	ssyncset.done $0x0  }
0x17: {  	[sflag:s12] =	ssyncadd.s32 $0xFFFFFE00  }
0x18: {  	[tilespmem:s14], [sflag:$0x1] =	stream.indirect.gather [hbm4b:s3+s13], $0x20, s1, s13, $0xb8;
	[tilespmem:$0x8A10] =	vst v63  }
0x19: {  	_ = 	snop  }
0x1a: {  	[tilespmem:s15], [sflag:$0x2] =	stream.indirect.gather [hbm4b:s4+s13], $0x20, s13, s13, $0xb8;
	[tilespmem:$0x8A10] =	vst v63  }
0x1b: {  	_ = 	snop  }
0x1c: {  	[tilespmem:s16], [sflag:$0x3] =	stream.indirect.gather [hbm4b:s5+s13], $0x1, s1, s13, $0xb8;
	[tilespmem:$0x8A10] =	vst v63  }
0x1d: {  	_ = 	snop  }
0x1e: {  	[tilespmem:s17], [sflag:$0x4] =	stream.indirect.gather [hbm4b:s6+s13], $0x1, s13, s13, $0xb8;
	[tilespmem:$0x8A10] =	vst v63  }
0x1f: {  	_ =	swait.ge [sflag:s18], $0x200  }
0x20: {  	[sflag:s18] =	ssyncset.done $0x0  }
0x21: {  	[sflag:s18] =	ssyncadd.s32 $0xFFFFFE00  }
0x22: {  	_ =	swait.ge [sflag:s19], $0x200  }
0x23: {  	[sflag:s19] =	ssyncset.done $0x0  }
0x24: {  	s25 =	simm.s32 $0x0;
	[sflag:s19] =	ssyncadd.s32 $0xFFFFFE00  }
0x25: {  	v0 =	vld [tilespmem:s25+$0x8400]  }
0x26: {  	s26 =	simm.s32 $0x40;
	v1 =	vld [tilespmem:s25+$0x8600]  }
.LBB2_2:
0x27: {  	_ = 	snop  }
0x28: {  	p0 =	sne.s32 s26, $0x7C0  }
.Ltmp0:
0x29: {  	_ = 	snop;
	(pc) =	sbr.rel @p0 .LBB2_2-.Ltmp0, $4  }
0x2a: {  	_ = 	snop  }
0x2b: {  	s28 =	sshra.s32 s26, $0x2;
	v2 =	vadd.f32 v1, v0  }
0x2c: {  	v0 =	vld [tilespmem:s28+$0x8400]  }
0x2d: {  	s26 =	sadd.s32 $0x40, s26;
	v1 =	vld [tilespmem:s28+$0x8600];
	[tilespmem:s25+$0x8800] =	vst v2;
	s25 =	smov.u32 s28  }
0x2e: {  	_ =	sdelay $0x3  }
0x2f: {  	v0 =	vadd.f32 v1, v0;
	_ =	sdelay $0x1  }
0x30: {  	s31 =	simm.s32 $0x0;
	[tilespmem:s25+$0x8800] =	vst v0  }
0x31: {  	[hbm4b:s9+s31] =	stream.linear.scatter [tilespmem:s20], [sflag:$0x5], $0x200, $0x38;
	[tilespmem:$0x8A10] =	vst v63  }
0x32: {  	_ =	swait.ge [sflag:s12], $0x200  }
0x33: {  	[sflag:s12] =	ssyncset.done $0x0  }
0x34: {  	[sflag:s12] =	ssyncadd.s32 $0xFFFFFE00  }
0x35: {  	_ =	swait.ge [sflag:s21], $0x4000  }
0x36: {  	[sflag:s21] =	ssyncset.done $0x0  }
0x37: {  	[sflag:s21] =	ssyncadd.s32 $0xFFFFC000  }
0x38: {  	_ =	swait.ge [sflag:s22], $0x4000  }
0x39: {  	[sflag:s22] =	ssyncset.done $0x0  }
0x3a: {  	s26 =	simm.s32 $0x0;
	[sflag:s22] =	ssyncadd.s32 $0xFFFFC000  }
0x3b: {  	v0 =	vld [tilespmem:s26+$0x400]  }
0x3c: {  	v2 =	vld [tilespmem:s26+$0x4400]  }
0x3d: {  	v1 =	vld [tilespmem:s26+$0x410]  }
0x3e: {  	v3 =	vld [tilespmem:s26+$0x4410]  }
0x3f: {  	v4 =	vimm.f32 $0.0e+00;
	s25 =	simm.s32 $0x80  }
.LBB2_4:
0x40: {  	s26 =	sshra.s32 s25, $0x2;
	p0 =	sne.s32 s25, $0xFF80  }
.Ltmp1:
0x41: {  	s25 =	sadd.s32 $0x80, s25;
	v5 =	vmul.f32 v2, v0;
	v0 =	vld [tilespmem:s26+$0x400];
	(pc) =	sbr.rel @p0 .LBB2_4-.Ltmp1, $4  }
0x42: {  	v2 =	vld [tilespmem:s26+$0x4400]  }
0x43: {  	v4 =	vadd.f32 v5, v4;
	v5 =	vmul.f32 v3, v1;
	v1 =	vld [tilespmem:s26+$0x410]  }
0x44: {  	v3 =	vld [tilespmem:s26+$0x4410]  }
0x45: {  	v4 =	vadd.f32 v5, v4  }
0x46: {  	_ = 	snop  }
0x47: {  	v0 =	vmul.f32 v2, v0;
	_ =	sdelay $0x1  }
0x48: {  	v0 =	vadd.f32 v0, v4;
	v1 =	vmul.f32 v3, v1;
	_ =	sdelay $0x1  }
0x49: {  	s24 =	sadd.s32 $0x1, s24;
	v0 =	vadd.f32 v1, v0  }
0x4a: {  	p0 =	sne.s32 s24, s11  }
.Ltmp2:
0x4b: {  	[tilespmem:$0x8A00] =	vst v0;
	(pc) =	sbr.rel @p0 .LBB2_1-.Ltmp2, $4  }
0x4c: {  	[hbm4b:s10+s1] =	stream.linear.scatter [tilespmem:s23], [sflag:$0x5], $0x10, $0x38;
	[tilespmem:$0x8A10] =	vst v63  }
0x4d: {  	_ =	swait.ge [sflag:s12], $0x10  }
0x4e: {  	[sflag:s12] =	ssyncset.done $0x0  }
0x4f: {  	[sflag:s12] =	ssyncadd.s32 $0xFFFFFFF0  }
0x50: {  	_ =	sfence.sel $0x180000  }
0x51: {  	[bflag:$0x0] =	sbarrier.arrive $0xFFFF  }
0x52: {  	p0 =	sne.s32 s2, $0x0;
	_ =	strace $0x90000047  }
0x53: {  	s0 =	sadd.s32 @!p0 $0x100000, s0;
	[bflag:$0x2] =	sbarrier.arrive $0xFFFF  }
0x54: {  	[sflag:s0] =	ssyncadd.tile.s32 @!p0 $0x1;
	_ =	shalt  }
.Lfunc_end2:
_tile_overlayer_lowered:
.L_overlay_start_2:
0x55: {  	(tag) =	ssettag $0x2  }
0x56: {  	s0 =	rddreg [dreg:$0x0];
	s2 =	stileid.u32  }
0x57: {  	s1 =	rddreg [dreg:$0x1];
	p0 =	sne.s32 s2, $0x0  }
0x58: {  	s3 =	rddreg [dreg:$0x2];
	[bflag:$0x3] =	sbarrier.arrive $0xFFFF;
	s2 =	simm.s32 @!p0 $0x1C05  }
0x59: {  	[timem:s3], [sflag:s2] =	dma.local @!p0 [hbm:s0], s1  }
0x5a: {  	s0 =	simm.s32 @!p0 $0x5  }
0x5b: {  	_ =	swait.ge @!p0 [sflag:s0], s1  }
0x5c: {  	s1 =	ssub.s32 @!p0 $0x0, s1;
	[sflag:s0] =	ssyncset.done @!p0 $0x0  }
0x5d: {  	[sflag:s0] =	ssyncadd.s32 @!p0 s1  }
0x5e: {  	[bflag:$0x3] =	sbarrier.arrive $0xFFFF  }
0x5f: {  	_ =	shalt  }

</sc_bundles>
